<compile_context>
chip_gen: v7x
topology: tpu7x:2x2x1
jax: 0.10.2.dev20260603
libtpu: 0.0.44.dev20260713+nightly
codegen_flags: <defaults>
</compile_context>

<pallas_src>
import jax
import jax.numpy as jnp
from jax.experimental import pallas as pl
from jax.experimental.pallas import tpu as pltpu

_TIME_STEPS = 1000
_EMBED_DIM = 256


def _bcast_kernel(t_ref, emb_ref, out_ref):
    del t_ref
    out_ref[...] = jnp.broadcast_to(emb_ref[0], out_ref.shape)


def kernel(x, t, embeddings):
    b, _, h, w = x.shape
    hw = h * w
    wblk = hw
    n_w = 1
    for cand in (4, 2, 8, 16, 7, 14, 28):
        if hw % cand == 0 and (hw // cand) % 128 == 0:
            wblk = hw // cand
            n_w = cand
            break
    t_arr = jnp.asarray(t, jnp.int32).reshape(1)
    emb3 = embeddings.reshape(_TIME_STEPS, _EMBED_DIM, 1)
    grid_spec = pltpu.PrefetchScalarGridSpec(
        num_scalar_prefetch=1,
        grid=(b, n_w),
        in_specs=[
            pl.BlockSpec((1, _EMBED_DIM, 1), lambda i, j, t_ref: (t_ref[0], 0, 0)),
        ],
        out_specs=pl.BlockSpec((_EMBED_DIM, wblk), lambda i, j, t_ref: (i, j)),
    )
    out2d = pl.pallas_call(
        _bcast_kernel,
        grid_spec=grid_spec,
        out_shape=jax.ShapeDtypeStruct((b * _EMBED_DIM, hw), jnp.float32),
    )(t_arr, emb3)
    return out2d.reshape(b, _EMBED_DIM, h, w)

# --- scband reference (transcript-rebuilt; emitter-appended) ---
"""Pipeline reference for scband-sine-embedding-31877247271265 (READ-ONLY COPY).

The authoritative reference and input builder live on the scoring server;
editing this copy changes nothing except your own understanding.
"""

import jax, jax.numpy as jnp
import numpy as np

TIME_STEPS = 1000
EMBED_DIM = 256


def _build_embeddings():
    position = np.arange(TIME_STEPS, dtype=np.float32)[:, None]
    div = np.exp(np.arange(0, EMBED_DIM, 2, dtype=np.float32) * -(np.log(10000.0) / EMBED_DIM))
    emb = np.zeros((TIME_STEPS, EMBED_DIM), dtype=np.float32)
    emb[:, 0::2] = np.sin(position * div)
    emb[:, 1::2] = np.cos(position * div)
    return jnp.asarray(emb)


def setup_inputs(seed: int = 0) -> dict:
    key = jax.random.key(seed)
    x = jax.random.normal(key, (2, 96, 224, 224), dtype=jnp.float32)
    t = 500
    embeddings = _build_embeddings()
    return {"x": x, "t": t, "embeddings": embeddings}


def reference(x, t, embeddings):
    # embeds = self.embeddings[t]
    embeds = embeddings[t]
    # embeds.view(1, embedding_dim, 1, 1)
    embeds = embeds.reshape(1, EMBED_DIM, 1, 1)
    # expand(x.shape[0], embedding_dim, x.shape[2], x.shape[3])
    embeds = jnp.broadcast_to(embeds, (x.shape[0], EMBED_DIM, x.shape[2], x.shape[3]))
    return embeds

if __name__ == "__main__":
    import jax
    _d = setup_inputs()
    print(jax.jit(kernel)(*tuple(_d.values())))

</pallas_src>

<mosaic_0001>
module attributes {stable_mosaic.version = 14 : i64} {
  func.func @_bcast_kernel(%arg0: i32, %arg1: i32, %arg2: memref<1xi32, #tpu.memory_space<smem>>, %arg3: memref<1x256x1xf32, #tpu.memory_space<vmem>>, %arg4: memref<256x12544xf32, #tpu.memory_space<vmem>>) attributes {dimension_semantics = [#tpu.dimension_semantics<arbitrary>, #tpu.dimension_semantics<arbitrary>], iteration_bounds = array<i64: 2, 4>, scalar_prefetch = 1 : i64, scratch_operands = 0 : i64, tpu.core_type = #tpu.core_type<tc>, window_params = [{transform_indices = @transform_0, window_bounds = array<i64: 1, 256, 1>}, {transform_indices = @transform_1, window_bounds = array<i64: 256, 12544>}]} {
    %get3A = arith.constant 0 : index
    %get3A_0 = arith.constant 0 : index
    %get3A_1 = arith.constant 0 : index
    %get3A_2 = vector.load %arg3[%get3A, %get3A_0, %get3A_1] : memref<1x256x1xf32, #tpu.memory_space<vmem>>, vector<1x256x1xf32>
    %get3A_3 = vector.shape_cast %get3A_2 : vector<1x256x1xf32> to vector<256x1xf32>
    %broadcast_in_dim3A = vector.shape_cast %get3A_3 : vector<256x1xf32> to vector<256x1xf32>
    %broadcast_in_dim3A_4 = vector.broadcast %broadcast_in_dim3A : vector<256x1xf32> to vector<256x12544xf32>
    %swap3A = arith.constant 0 : index
    %swap3A_5 = arith.constant 0 : index
    %swap3A_6 = vector.load %arg4[%swap3A, %swap3A_5] : memref<256x12544xf32, #tpu.memory_space<vmem>>, vector<256x12544xf32>
    tpu.vector_store %arg4[%swap3A, %swap3A_5], %broadcast_in_dim3A_4 {strides = array<i32>} : memref<256x12544xf32, #tpu.memory_space<vmem>>, vector<256x12544xf32>,
    return
  }
  func.func @transform_0(%arg0: i32, %arg1: i32, %arg2: memref<1xi32, #tpu.memory_space<smem>>) -> (i32, i32, i32) {
    %get3A = arith.constant 0 : index
    %get3A_0 = memref.load %arg2[%get3A] : memref<1xi32, #tpu.memory_space<smem>>
    %c0_i32 = arith.constant 0 : i32
    %c0_i32_1 = arith.constant 0 : i32
    %c0_i32_2 = arith.constant 0 : i32
    return %get3A_0, %c0_i32, %c0_i32_1 : i32, i32, i32
  }
  func.func @transform_1(%arg0: i32, %arg1: i32, %arg2: memref<1xi32, #tpu.memory_space<smem>>) -> (i32, i32) {
    %c0_i32 = arith.constant 0 : i32
    return %arg0, %arg1 : i32, i32
  }
}

</mosaic_0001>

<sc_bundles>
// kernel: sparse-core-data-format-call.cloned.1.call-start
scs
called_computation_lowered:
.L_overlay_start_0:
0x0: {  	s2 =	sld [smem:$0x3FD9]  }
0x1: {  	s3 =	sld [smem:$0x3FFE];
	_ =	sdelay $0x1  }
0x2: {  	s1 =	srdreg.scid  }
0x3: {  	s0 =	sand.u32 $0x1, s1  }
0x4: {  	s18 =	sshll.u32 s0, $0xA;
	s2 =	sadd.s32 s3, s2  }
0x5: {  	s2 =	sadd.s32 s2, s18  }
0x6: {  	[smem:$0x3FC6] =	sst s2  }
0x7: {  	_ = 	snop  }
0x8: {  	s2 =	sld [smem:$0x3FD0];
	(tm) =	ssettm $0x1  }
0x9: {  	s19 =	sld [smem:$0x3FFB];
	_ =	sdelay $0x3  }
0xa: {  	_ =	strace s19  }
0xb: {  	s3 =	sld [smem:$0x3FFC];
	_ =	sdelay $0x3  }
0xc: {  	_ =	strace s3  }
0xd: {  	s3 =	sld [smem:$0x3FFD];
	_ =	sdelay $0x3  }
0xe: {  	_ =	strace s3  }
0xf: {  	_ =	strace $0x8FFFFFFF  }
0x10: {  	s20 =	sld [smem:$0x3FDB];
	_ =	sdelay $0x1  }
0x11: {  	s4 =	simm.s32 $_scs_section_size  }
0x12: {  	s5 =	simm.s32 $_size__tile_overlayer_lowered;
	s6 =	simm.s32 $_tile_overlayer_lowered  }
0x13: {  	s23 =	simm.s32 $0x1BFF;
	s22 =	sshll.u32 s6, $0x1;
	s3 =	sadd.s32 s4, s20  }
0x14: {  	s7 =	simm.s32 $0x0;
	s21 =	sshll.u32 s5, $0x1;
	s5 =	sadd.s32 s22, s3  }
0x15: {  	[timem:s7], [sflag:s23] =	dma.local [hbm:s5], s21  }
0x16: {  	_ =	swait.ge [sflag:s23], s21  }
0x17: {  	s4 =	ssub.s32 $0x0, s21;
	[sflag:s23] =	ssyncset.done $0x0  }
0x18: {  	[sflag:s23] =	ssyncadd.s32 s4;
	_ =	sdelay $0x1  }
0x19: {  	s24 =	simm.s32 $0x1B8B  }
0x1a: {  	_ =	swait.ge [sflag:s24], $0x1  }
0x1b: {  	[sflag:s24] =	ssyncset.done $0x0  }
0x1c: {  	s26 =	simm.s32 $0x1B8E;
	s25 =	sld [smem:$0x3FFE];
	[sflag:s24] =	ssyncadd.s32 $0xFFFFFFFF  }
0x1d: {  	s27 =	simm.s32 $execute0_lowered;
	[smem:$0x3FD2] =	sst s26  }
0x1e: {  	s5 =	sshll.u32 s27, $0x1;
	_ =	strace $0x80000046;
	[dreg:$0x1] =	wrdreg $0xFFFFFFFF  }
0x1f: {  	s28 =	simm.s32 $_size_execute0_lowered;
	s3 =	sadd.s32 s3, s5;
	[dreg:$0x0] =	wrdreg $0x0  }
0x20: {  	s5 =	sshll.u32 s28, $0x1;
	[dreg:$0x2] =	wrdreg s3  }
0x21: {  	[dreg:$0x3] =	wrdreg s5  }
0x22: {  	[dreg:$0x4] =	wrdreg $0xC0  }
0x23: {  	_ =	task [dreg:s7], $0x5FFFF  }
0x24: {  	[dreg:$0x1] =	wrdreg $0xFFFFFFFF  }
0x25: {  	[dreg:$0x0] =	wrdreg $0x60  }
0x26: {  	[dreg:$0x2] =	wrdreg s25  }
0x27: {  	[dreg:$0x3] =	wrdreg s2  }
0x28: {  	[dreg:$0x4] =	wrdreg $0x9  }
0x29: {  	_ =	task.clear_ibuf [dreg:s7], $0x5FFFF;
	_ =	strace $0x90000046  }
0x2a: {  	s29 =	simm.s32 $0x9;
	_ =	strace $0x80000048  }
0x2b: {  	_ =	swait.ge [sflag:s29], $0x1  }
0x2c: {  	[sflag:s29] =	ssyncadd.s32 $0xFFFFFFFF  }
0x2d: {  	_ =	strace $0x90000048  }
0x2e: {  	_ =	sfence  }
0x2f: {  	s30 =	sld [smem:$0x0];
	_ =	sdelay $0x2  }
0x30: {  	s31 =	sshll.u32 s1, $0xD;
	s1 =	sshrl.u32 s1, $0x2  }
0x31: {  	s3 =	sand.u32 $0x4000, s31;
	s1 =	sadd.s32 s1, s30  }
0x32: {  	s0 =	sor.u32 s3, s0;
	s1 =	sshll.u32 s1, $0x11  }
0x33: {  	s0 =	sor.u32 s1, s0  }
0x34: {  	s0 =	sadd.s32 $0x8F2B, s0  }
0x35: {  	[sflag:s0] =	ssyncadd.remote.s32 $0x1  }
0x36: {  	_ =	sfence.sel $0xFFFF  }
0x37: {  	[dreg:$0x0] =	wrdreg $0xFFFFFFFF;
	(pc) =	sbr.abs _section_cstart, $3  }
0x38: {  	[dreg:$0x1] =	wrdreg $0xFFFFFFFF  }
0x39: {  	_ =	task.clear_ibuf [dreg:s7], $0x2FFFF;
	_ =	strace $0x9FFFFFFF  }
0x3a: {  	(tm) =	ssettm $0x7FFFFFFF  }
0x3b: {  	_ =	shalt  }
tec
execute0_lowered:
.L_overlay_start_1:
0x0: {  	(tag) =	ssettag $0x1  }
0x1: {  	s0 =	stileid.u32  }
0x2: {  	s5 =	rddreg [dreg:$0x0];
	s29 =	srdreg.scid;
	_ =	strace $0x80000047  }
0x3: {  	s31 =	simm.s32 $0x2;
	s20 =	simm.s32 $0x0;
	p0 =	por $0x0, $0x0  }
0x4: {  	s22 =	simm.s32 $0x0;
	s21 =	simm.s32 $0x0;
	s2 =	sshll.u32 s0, $0x6  }
0x5: {  	s23 =	simm.s32 $0x0;
	s1 =	sand.u32 $0x1, s0;
	s3 =	sand.u32 $0x80, s2  }
0x6: {  	s11 =	simm.s32 $0x0;
	s28 =	ssub.s32 $0x2, s1;
	s6 =	ssub.s32 $0x100, s3  }
0x7: {  	s13 =	simm.s32 $0x0;
	s7 =	sshrl.u32 s28, $0x1;
	s8 =	sshrl.u32 s6, $0x7  }
0x8: {  	s9 =	sand.u32 $0x1, s28;
	s6 =	sshrl.u32 s6, $0x8;
	s8 =	sand.u32 $0x1, s8  }
0x9: {  	s14 =	simm.s32 $0x0;
	s7 =	sadd.s32 s9, s7;
	s6 =	sadd.s32 s6, s8  }
0xa: {  	s15 =	simm.s32 $0x0;
	s19 =	simm.s32 $0x0;
	s7 =	smul.u32 s6, s7  }
.Ltmp0:
0xb: {  	s5 =	sadd.s32 $0x400, s5;
	s30 =	sshll.u32 s29, $0x4;
	(pc) =	sbr.rel .LBB1_1-.Ltmp0, $4  }
0xc: {  	s18 =	smov.u32 s1;
	s17 =	smov.u32 s3;
	s8 =	sand.u32 $0x10, s30  }
0xd: {  	s6 =	simm.s32 $0x1;
	s8 =	sor.u32 s0, s8;
	s7 =	smul.u32 $0x38, s7  }
0xe: {  	s0 =	simm.s32 $0x0;
	[sflag:s6] =	ssyncpa.u1 $0x0;
	s8 =	sshrl.u32 s8, $0x2  }
0xf: {  	[sflag:s31] =	ssyncpa.u1 $0x0;
	s16 =	smov.u32 s8;
	s9 =	sor.u32 $0x1, s7  }
.LBB1_4:
0x10: {  	v5 =	vld [tilespmem:s25+$0xFFFFFFD0]  }
0x11: {  	v58 =	vld [tilespmem:s25+$0xFFFFFFE0]  }
0x12: {  	v59 =	vld [tilespmem:s25+$0xFFFFFFF0]  }
0x13: {  	v60 =	vld [tilespmem:s25+$0x0]  }
0x14: {  	s28 =	sshra.s32 s28, $0x2;
	s29 =	sshll.u32 s11, $0x8;
	v61 =	vld [tilespmem:s25+$0x10]  }
0x15: {  	s10 =	sshra.s32 s14, $0x1F;
	s30 =	sshll.u32 s13, $0x3;
	p1 =	sgt.s32 s14, $0x1;
	v62 =	vld [tilespmem:s25+$0x20]  }
0x16: {  	s31 =	smov.u32 s14;
	s2 =	sshra.s32 s13, $0x1F;
	v63 =	vld [tilespmem:s25+$0xFFFFFFC0];
	s25 =	smul.u32 $0x188000, s14  }
0x17: {  	s27 =	sadd.s32 s28, s27;
	s4 =	sand.u32 $0xFFFFF800, s29;
	s29 =	sand.u32 s10, s14  }
0x18: {  	s30 =	sand.u32 $0xFFFFFC00, s30;
	s31 =	simm.s32 @!p1 $0x1;
	s2 =	sand.u32 s2, s13  }
0x19: {  	s10 =	sshra.s32 s11, $0x1F;
	s29 =	sxor.u32 $0xFFFFFFFF, s29;
	s28 =	sadd.s32 s30, s4  }
0x1a: {  	s30 =	sshll.u32 s11, $0x7;
	s4 =	sshra.s32 s0, $0x1F;
	s10 =	sand.u32 s10, s11  }
0x1b: {  	s29 =	sadd.s32 s29, s31;
	s12 =	sand.u32 $0x300, s30;
	s31 =	smov.u32 s13  }
0x1c: {  	s4 =	sand.u32 s4, s0;
	p1 =	sgt.s32 s29, $0x0;
	s29 =	ssub.s32 $0x1, s29  }
0x1d: {  	s28 =	sor.u32 s12, s28;
	s29 =	simm.s32 @p1 $0x0;
	p1 =	sgt.s32 s13, $0x80  }
0x1e: {  	s12 =	smov.u32 s0;
	s31 =	simm.s32 @!p1 $0x80;
	p1 =	sgt.s32 s0, $0xDF  }
0x1f: {  	s30 =	sand.u32 $0x80, s30;
	s28 =	sshrl.u32 s28, $0x8;
	s12 =	simm.s32 @!p1 $0xDF  }
0x20: {  	s2 =	ssub.s32 s31, s2;
	p1 =	sgt.s32 s11, $0x60;
	s4 =	ssub.s32 s12, s4  }
0x21: {  	[tilespmem:s26+$0x2040 ss:$0x81] =	vst.msk $0xffff, v4;
	s12 =	smov.u32 s11;
	s31 =	sadd.s32 $0xFFFFFF80, s2;
	s2 =	ssub.s32 $0x100, s2  }
0x22: {  	[tilespmem:s26+$0x2850 ss:$0x81] =	vst.msk $0xffff, v3;
	s12 =	simm.s32 @!p1 $0x60;
	p1 =	sgt.s32 s31, $0x7F;
	s31 =	sadd.s32 $0xFFFFFF21, s4  }
0x23: {  	[tilespmem:s26+$0x3060 ss:$0x81] =	vst.msk $0xffff, v2;
	s2 =	simm.s32 @p1 $0x0;
	p1 =	sgt.s32 s31, $0x0;
	s31 =	smulhi.u32 $0x124924A, s28  }
0x24: {  	[tilespmem:s26+$0x0 ss:$0x81] =	vst.msk $0xffff, v1;
	s10 =	ssub.s32 s12, s10;
	s12 =	sand.u32 $0x78, s13;
	s2 =	smul.u32 s29, s2  }
0x25: {  	[tilespmem:s27+$0x3870 ss:$0x81] =	vst.msk $0xffff, v0;
	s4 =	ssub.s32 $0xE0, s4;
	s12 =	sor.u32 s12, s30;
	s30 =	smul.u32 $0x1C00, s0  }
0x26: {  	[tilespmem:s27+$0x810 ss:$0x81] =	vst.msk $0xffff, v5;
	s4 =	simm.s32 @p1 $0x0;
	s26 =	smul.u32 $0xE0, s31;
	s31 =	sadd.s32 $0xFFFFFFA0, s10  }
0x27: {  	[tilespmem:s27+$0x1020 ss:$0x81] =	vst.msk $0xffff, v58;
	s2 =	smul.u32 s4, s2;
	p1 =	sgt.s32 s31, $0x7F;
	s4 =	ssub.s32 $0xE0, s10  }
0x28: {  	[tilespmem:s27+$0x1830 ss:$0x81] =	vst.msk $0xffff, v59;
	s12 =	sshrl.u32 s12, $0x3;
	s31 =	rddreg [dreg:$0x1];
	s4 =	simm.s32 @p1 $0x0  }
0x29: {  	[tilespmem:s27+$0x2040 ss:$0x81] =	vst.msk $0xffff, v60;
	s26 =	ssub.s32 s28, s26;
	s2 =	smul.u32 s4, s2;
	s4 =	sadd.s32 s31, s25  }
0x2a: {  	[tilespmem:s27+$0x2850 ss:$0x81] =	vst.msk $0xffff, v61;
	s28 =	sand.u32 $0x7, s13;
	s29 =	sshll.u32 s26, $0x5;
	s4 =	sadd.s32 s30, s4  }
0x2b: {  	[tilespmem:s27+$0x3060 ss:$0x81] =	vst.msk $0xffff, v62;
	s31 =	simm.s32 $0x800;
	s30 =	sshll.u32 s28, $0x12;
	s4 =	sadd.s32 s12, s4  }
0x2c: {  	[tilespmem:s27+$0x0 ss:$0x81] =	vst.msk $0xffff, v63;
	s2 =	sand.u32 $0x3FFFFFFF, s2;
	s10 =	sor.u32 $0x400, s30;
	s4 =	sadd.s32 s29, s4  }
0x2d: {  	[hbm4b:s4+s10] =	stream.strided.scatter [tilespmem:s24], [sflag:$0x2], s2, s31, s10, $0x20;
	[tilespmem:$0x10100] =	vst v63  }
.LBB1_5:
0x2e: {  	p1 =	slt.u32 s19, $0x2;
	s4 =	smov.u32 s23  }
0x2f: {  	s24 =	smov.u32 s16;
	s25 =	smov.u32 s17;
	p0 =	por !p0, !p0  }
0x30: {  	p2 =	sgt.s32 @!p1 s23, $0x1;
	s2 =	sshra.s32 @!p1 s23, $0x1F;
	s10 =	sshra.s32 @!p1 s22, $0x1F  }
0x31: {  	s12 =	sshra.s32 @!p1 s21, $0x1F;
	p2 =	por !p2, p1;
	s2 =	sand.u32 @!p1 s2, s23  }
0x32: {  	s10 =	sand.u32 @!p1 s10, s22;
	s12 =	sand.u32 @!p1 s12, s21;
	s23 =	smov.u32 s14  }
0x33: {  	s4 =	simm.s32 @p2 $0x1;
	s2 =	sxor.u32 @!p1 $0xFFFFFFFF, s2;
	p2 =	sgt.s32 @!p1 s22, $0xDF  }
0x34: {  	s2 =	sadd.s32 @!p1 s2, s4;
	p2 =	por !p2, p1;
	s4 =	smov.u32 s22  }
0x35: {  	s14 =	smov.u32 s18;
	p3 =	sgt.s32 @!p1 s2, $0x0;
	s4 =	simm.s32 @p2 $0xDF  }
0x36: {  	s2 =	ssub.s32 @!p1 $0x1, s2;
	p2 =	por !p3, p1;
	s4 =	ssub.s32 @!p1 s4, s10  }
0x37: {  	s2 =	simm.s32 @!p2 $0x0;
	s10 =	sadd.s32 @!p1 $0xFFFFFF21, s4;
	p2 =	sgt.s32 @!p1 s21, $0x80  }
0x38: {  	p3 =	sgt.s32 @!p1 s10, $0x0;
	p2 =	por !p2, p1;
	s10 =	smov.u32 s21  }
0x39: {  	s4 =	ssub.s32 @!p1 $0xE0, s4;
	s10 =	simm.s32 @p2 $0x80;
	p2 =	sgt.s32 @!p1 s20, $0x60  }
0x3a: {  	s21 =	sshra.s32 @!p1 s20, $0x1F;
	s10 =	ssub.s32 @!p1 s10, s12;
	p2 =	por !p2, p1  }
0x3b: {  	s12 =	smov.u32 s20;
	s20 =	sand.u32 @!p1 s21, s20;
	s21 =	sadd.s32 @!p1 $0xFFFFFF80, s10  }
0x3c: {  	p3 =	por !p3, p1;
	s12 =	simm.s32 @p2 $0x60;
	p2 =	sgt.s32 @!p1 s21, $0x7F  }
0x3d: {  	s10 =	ssub.s32 @!p1 $0x100, s10;
	s12 =	ssub.s32 @!p1 s12, s20;
	p2 =	por !p2, p1  }
0x3e: {  	s4 =	simm.s32 @!p3 $0x0;
	s20 =	sadd.s32 @!p1 $0xFFFFFFA0, s12;
	s10 =	simm.s32 @!p2 $0x0  }
0x3f: {  	s12 =	ssub.s32 @!p1 $0xE0, s12;
	s2 =	smul.u32 @!p1 s2, s10;
	s10 =	sadd.s32 $0x80, s15  }
0x40: {  	p2 =	sgt.s32 @!p1 s20, $0x7F;
	s20 =	sadd.s32 $0x8, s16;
	p3 =	sgt.s32 s10, $0xDF  }
0x41: {  	p2 =	por !p2, p1;
	s2 =	smul.u32 @!p1 s4, s2;
	s24 =	smov.u32 @p3 s20  }
0x42: {  	s12 =	simm.s32 @!p2 $0x0;
	s4 =	sadd.s32 $0x100, s17;
	p2 =	sgt.s32 s24, $0xDF  }
0x43: {  	s10 =	simm.s32 @p3 $0x0;
	s2 =	smul.u32 @!p1 s12, s2;
	s25 =	smov.u32 @p2 s4  }
0x44: {  	s4 =	sadd.s32 $0x2, s18;
	s12 =	smov.u32 s18;
	p3 =	sgt.s32 s25, $0xFF  }
0x45: {  	s22 =	smov.u32 s0;
	s0 =	smov.u32 s16;
	s12 =	smov.u32 @p3 s4  }
0x46: {  	s21 =	smov.u32 s13;
	s24 =	smov.u32 @p2 s8;
	p2 =	sgt.s32 s12, $0x1  }
0x47: {  	s13 =	smov.u32 s17;
	s12 =	smov.u32 @p2 s1;
	p2 =	sne.s32 s19, s9  }
.Ltmp1:
0x48: {  	s20 =	smov.u32 s11;
	s11 =	smov.u32 s15;
	(pc) =	sbr.rel @!p2 .LBB1_6-.Ltmp1, $4  }
0x49: {  	s15 =	smov.u32 s10;
	s2 =	sand.u32 @!p1 $0x3FFFFFFF, s2;
	s4 =	simm.s32 @!p1 $0x2  }
0x4a: {  	s16 =	smov.u32 s24;
	s25 =	smov.u32 @p3 s3;
	_ =	swait.ge @!p1 [sflag:s4], s2  }
0x4b: {  	s2 =	ssub.s32 @!p1 $0x0, s2;
	s17 =	smov.u32 s25;
	[sflag:s4] =	ssyncset.done @!p1 $0x0  }
0x4c: {  	s19 =	sadd.s32 $0x1, s19;
	[sflag:s4] =	ssyncadd.s32 @!p1 s2;
	s18 =	smov.u32 s12  }
.LBB1_1:
0x4d: {  	p1 =	sge.u32 s19, s7  }
0x4e: {  	s24 =	sshll.u32 @!p1 s16, $0x8;
	s25 =	sshll.u32 @!p1 s15, $0x3  }
0x4f: {  	s26 =	sshll.u32 @!p1 s16, $0x7;
	s24 =	sand.u32 @!p1 $0xFFFFF800, s24;
	s25 =	sand.u32 @!p1 $0xFFFFFC00, s25  }
0x50: {  	s24 =	sadd.s32 @!p1 s24, s25;
	s25 =	sand.u32 @!p1 $0x300, s26  }
0x51: {  	s24 =	sor.u32 @!p1 s25, s24  }
0x52: {  	s24 =	sshrl.u32 @!p1 s24, $0x8  }
0x53: {  	s25 =	smulhi.u32 @!p1 $0x124924A, s24  }
0x54: {  	s31 =	sadd.s32 $0xFFFFFFFF, s19;
	s27 =	sxor.u32 @!p1 $0xFFFFFFFF, s19;
	s29 =	smul.u32 @!p1 $0x1C0000, s18  }
0x55: {  	s28 =	sand.u32 @!p1 $0x78, s15;
	s26 =	sand.u32 @!p1 $0x80, s26;
	s25 =	smul.u32 @!p1 $0xE0, s25  }
0x56: {  	s27 =	sshll.u32 @!p1 s27, $0xE;
	s26 =	sor.u32 @!p1 s28, s26;
	s28 =	smul.u32 @!p1 $0x1C00, s17  }
0x57: {  	s24 =	ssub.s32 @!p1 s24, s25;
	s25 =	sand.u32 @!p1 $0x4000, s27;
	s27 =	sadd.s32 @!p1 s5, s29  }
0x58: {  	s26 =	sshrl.u32 @!p1 s26, $0x3;
	s27 =	sadd.s32 @!p1 s28, s27;
	s28 =	sand.u32 @!p1 $0x7, s15  }
0x59: {  	s24 =	sshll.u32 @!p1 s24, $0x5;
	s26 =	sadd.s32 @!p1 s26, s27;
	s27 =	sshll.u32 @!p1 s28, $0x12  }
0x5a: {  	s24 =	sadd.s32 @!p1 s24, s26;
	s26 =	sor.u32 @!p1 $0x80, s27;
	s27 =	simm.s32 @!p1 $0xE000  }
0x5b: {  	[tilespmem:s25], [sflag:$0x1] =	stream.strided.gather @!p1 [hbm4b:s24+s26], $0x4000, s27, s26, $0x38;
	[tilespmem:$0x10100] =	vst v63  }
0x5c: {  	p1 =	sge.u32 s31, s7  }
.Ltmp2:
0x5d: {  	_ = 	snop;
	(pc) =	sbr.rel @p1 .LBB1_5-.Ltmp2, $1  }
0x5e: {  	_ =	sdelay $0x3  }
0x5f: {  	s24 =	simm.s32 $0x1  }
0x60: {  	_ =	swait.ge [sflag:s6], $0x4000;
	s24 =	simm.s32 @!p0 $0x0  }
0x61: {  	[sflag:s6] =	ssyncset.done $0x0;
	s25 =	sshll.u32 s24, $0xE  }
0x62: {  	[sflag:s6] =	ssyncadd.s32 $0xFFFFC000;
	s25 =	sor.u32 $0x40, s25  }
0x63: {  	s24 =	smul.u32 $0x10200, s24;
	v0 =	vld [tilespmem:s25+$0x30]  }
0x64: {  	v1 =	vld [tilespmem:s25+$0xFFFFFFD0]  }
0x65: {  	s24 =	sshrl.u32 s24, $0x2;
	v5 =	vld [tilespmem:s25+$0xFFFFFFE0]  }
0x66: {  	v6 =	vld [tilespmem:s25+$0xFFFFFFF0];
	s27 =	sor.u32 $0x8000, s24  }
0x67: {  	s31 =	sand.u32 $0x1, s19;
	v4 =	vld [tilespmem:s25+$0x0];
	s26 =	sadd.s32 $0x0, s27  }
0x68: {  	v3 =	vld [tilespmem:s25+$0x10];
	s24 =	smul.u32 $0x10200, s31;
	[tilespmem:s26+$0x3870 ss:$0x81] =	vst.msk $0xffff, v0  }
0x69: {  	v2 =	vld [tilespmem:s25+$0x20];
	[tilespmem:s26+$0x810 ss:$0x81] =	vst.msk $0xffff, v1  }
0x6a: {  	s24 =	sshrl.u32 s24, $0x2;
	v1 =	vld [tilespmem:s25+$0xFFFFFFC0];
	[tilespmem:s26+$0x1020 ss:$0x81] =	vst.msk $0xffff, v5;
	s25 =	sadd.s32 $0x80, s25  }
0x6b: {  	s28 =	simm.s32 $0x4;
	s29 =	simm.s32 $0x8;
	s24 =	sor.u32 $0x8000, s24;
	[tilespmem:s26+$0x1830 ss:$0x81] =	vst.msk $0xffff, v6;
	v0 =	vld [tilespmem:s25+$0x30]  }
.LBB1_3:
0x6c: {  	p1 =	sne.s32 s29, $0x1FC;
	v5 =	vld [tilespmem:s25+$0xFFFFFFD0];
	[tilespmem:s26+$0x2040 ss:$0x81] =	vst.msk $0xffff, v4  }
0x6d: {  	v6 =	vld [tilespmem:s25+$0xFFFFFFE0];
	[tilespmem:s26+$0x2850 ss:$0x81] =	vst.msk $0xffff, v3  }
0x6e: {  	s30 =	sshra.s32 s28, $0x2;
	s28 =	smov.u32 s29;
	v7 =	vld [tilespmem:s25+$0xFFFFFFF0];
	[tilespmem:s26+$0x3060 ss:$0x81] =	vst.msk $0xffff, v2  }
.Ltmp3:
0x6f: {  	v4 =	vld [tilespmem:s25+$0x0];
	[tilespmem:s26+$0x0 ss:$0x81] =	vst.msk $0xffff, v1;
	s26 =	sadd.s32 s30, s27;
	(pc) =	sbr.rel @p1 .LBB1_3-.Ltmp3, $4  }
0x70: {  	v3 =	vld [tilespmem:s25+$0x10];
	[tilespmem:s26+$0x3870 ss:$0x81] =	vst.msk $0xffff, v0  }
0x71: {  	[tilespmem:s26+$0x810 ss:$0x81] =	vst.msk $0xffff, v5;
	v2 =	vld [tilespmem:s25+$0x20]  }
0x72: {  	v1 =	vld [tilespmem:s25+$0xFFFFFFC0];
	[tilespmem:s26+$0x1020 ss:$0x81] =	vst.msk $0xffff, v6;
	s25 =	sadd.s32 $0x80, s25  }
0x73: {  	s29 =	sadd.s32 $0x4, s29;
	v0 =	vld [tilespmem:s25+$0x30];
	[tilespmem:s26+$0x1830 ss:$0x81] =	vst.msk $0xffff, v7  }
.Ltmp4:
0x74: {  	_ = 	snop;
	(pc) =	sbr.rel .LBB1_4-.Ltmp4, $1  }
0x75: {  	_ =	sdelay $0x3  }
.LBB1_6:
0x76: {  	_ =	sfence.sel $0x180000  }
0x77: {  	s0 =	simm.s32 $0x1;
	[bflag:$0x0] =	sbarrier.arrive $0xFFFF  }
0x78: {  	s30 =	simm.s32 $0x2;
	[sflag:s0] =	ssyncpa.u1 $0x1  }
0x79: {  	[sflag:s30] =	ssyncpa.u1 $0x1  }
0x7a: {  	_ =	strace $0x90000047  }
0x7b: {  	s31 =	stileid.u32;
	[bflag:$0x2] =	sbarrier.arrive $0xFFFF  }
0x7c: {  	p0 =	sne.s32 s31, $0x0;
	s0 =	rddreg [dreg:$0x2]  }
0x7d: {  	s0 =	sadd.s32 @!p0 $0x100000, s0  }
0x7e: {  	[sflag:s0] =	ssyncadd.tile.s32 @!p0 $0x1;
	_ =	shalt  }
.Lfunc_end1:
_tile_overlayer_lowered:
.L_overlay_start_2:
0x7f: {  	(tag) =	ssettag $0x2  }
0x80: {  	s0 =	rddreg [dreg:$0x0];
	s2 =	stileid.u32  }
0x81: {  	s1 =	rddreg [dreg:$0x1];
	p0 =	sne.s32 s2, $0x0  }
0x82: {  	s3 =	rddreg [dreg:$0x2];
	[bflag:$0x3] =	sbarrier.arrive $0xFFFF;
	s2 =	simm.s32 @!p0 $0x1C01  }
0x83: {  	[timem:s3], [sflag:s2] =	dma.local @!p0 [hbm:s0], s1  }
0x84: {  	s0 =	simm.s32 @!p0 $0x1  }
0x85: {  	_ =	swait.ge @!p0 [sflag:s0], s1  }
0x86: {  	s1 =	ssub.s32 @!p0 $0x0, s1;
	[sflag:s0] =	ssyncset.done @!p0 $0x0  }
0x87: {  	[sflag:s0] =	ssyncadd.s32 @!p0 s1  }
0x88: {  	[bflag:$0x3] =	sbarrier.arrive $0xFFFF  }
0x89: {  	_ =	shalt  }

</sc_bundles>
